<compile_context>
chip_gen: v7x
topology: tpu7x:2x2x1
jax: 0.10.2.dev20260603
libtpu: 0.0.44.dev20260713+nightly
codegen_flags: <defaults>
</compile_context>

<pallas_src>
import functools

import jax
import jax.numpy as jnp
from jax import lax
from jax.experimental import pallas as pl
from jax.experimental.pallas import tpu as pltpu
from jax.experimental.pallas import tpu_sc as plsc

B, H, W, K = 4, 512, 512, 8
P, C = 1000000, 3
N = B * H * W
D = 8

_info = plsc.get_sparse_core_info()
NC, NS, L = _info.num_cores, _info.num_subcores, _info.num_lanes
NW = NC * NS
PER_W = N // NW
S = 8192
NCHUNK = PER_W // S

_mesh = plsc.VectorSubcoreMesh(core_axis_name="c", subcore_axis_name="s")


@functools.partial(
    pl.kernel,
    mesh=_mesh,
    out_type=jax.ShapeDtypeStruct((N, D), jnp.float32),
    scratch_types=[
        pltpu.VMEM((S,), jnp.int32),
        pltpu.VMEM((S,), jnp.int32),
        pltpu.VMEM((S, D), jnp.float32),
        pltpu.SemaphoreType.DMA,
    ],
    compiler_params=pltpu.CompilerParams(use_tc_tiling_on_sc=False),
)
def _render(idx_hbm, table_hbm, out_hbm, idx_v, sidx_v, rows_v, sem):
    wid = lax.axis_index("s") * NC + lax.axis_index("c")
    base = wid * PER_W
    bg_row = jnp.full((L,), P, jnp.int32)

    for ch in range(NCHUNK):
        off = base + ch * S
        pltpu.sync_copy(idx_hbm.at[pl.ds(off, S)], idx_v)

        def remap_body(i, _):
            v = idx_v[pl.ds(i * L, L)]
            sidx_v[pl.ds(i * L, L)] = jnp.where(v < 0, bg_row, v)
            return 0

        lax.fori_loop(0, S // L, remap_body, 0)

        pltpu.async_copy(table_hbm.at[sidx_v], rows_v, sem).wait()

        pltpu.sync_copy(rows_v, out_hbm.at[pl.ds(off, S)])


def kernel(fragments_idx, features_packed):
    sel0 = jnp.zeros((K,), jnp.int32).at[0].set(1)
    idx0 = jnp.sum(fragments_idx * sel0, axis=-1).reshape(N)

    table = jnp.pad(
        jnp.concatenate(
            [features_packed, jnp.ones((8, C), jnp.float32)], axis=0),
        ((0, 0), (0, D - C)))

    out8 = _render(idx0, table)

    sel = jnp.zeros((D, C), jnp.float32).at[0, 0].set(1.0)
    sel = sel.at[1, 1].set(1.0).at[2, 2].set(1.0)
    out = out8 @ sel
    return out.reshape(B, H, W, C)

# --- scband reference (transcript-rebuilt; emitter-appended) ---
"""Pipeline reference for scband-circle-renderer-575525617847 (READ-ONLY COPY).

The authoritative reference and input builder live on the scoring server;
editing this copy changes nothing except your own understanding.
"""

import jax, jax.numpy as jnp
import numpy as np

B, H, W, K = 4, 512, 512, 8
P, C = 1000000, 3
BG = jnp.array([1.0, 1.0, 1.0], dtype=jnp.float32)


def setup_inputs(seed: int = 0) -> dict:
    key = jax.random.key(seed)
    k1, k2, k3 = jax.random.split(key, 3)
    idx = jax.random.randint(k1, (B, H, W, K), 0, P, dtype=jnp.int32)
    # ~10% of fragment slots are empty (-1), as produced by the rasterizer
    drop = jax.random.uniform(k2, (B, H, W, K)) < 0.1
    idx = jnp.where(drop, -1, idx)
    features_packed = jax.random.normal(k3, (P, C), dtype=jnp.float32)
    return {"fragments_idx": idx, "features_packed": features_packed}


def reference(fragments_idx, features_packed):
    # weights = (idx != -1).float().permute(0,3,1,2)
    weights = (fragments_idx != -1).astype(jnp.float32).transpose(0, 3, 1, 2)  # [B,K,H,W]
    indices = fragments_idx.transpose(0, 3, 1, 2)  # [B,K,H,W]
    features = features_packed.T  # [C,P]
    # AlphaCompositor: front-to-back alpha compositing
    safe_idx = jnp.where(indices >= 0, indices, 0)
    gathered = jnp.take(features, safe_idx, axis=1)  # [C,B,K,H,W]
    one_minus = 1.0 - weights
    cum = jnp.cumprod(one_minus, axis=1)
    transmittance = jnp.concatenate([jnp.ones_like(cum[:, :1]), cum[:, :-1]], axis=1)  # prod_{j<k}(1-w_j)
    w_eff = weights * transmittance  # [B,K,H,W]
    images = jnp.einsum('cbkhw,bkhw->bchw', gathered, w_eff)  # [B,C,H,W]
    # background color where the first fragment slot is empty (no points at pixel)
    bg_mask = indices[:, 0] < 0  # [B,H,W]
    bg = BG.reshape(1, C, 1, 1)
    images = jnp.where(bg_mask[:, None, :, :], bg, images)
    return images.transpose(0, 2, 3, 1)  # [B,H,W,C]

if __name__ == "__main__":
    import jax
    _d = setup_inputs()
    print(jax.jit(kernel)(*tuple(_d.values())))

</pallas_src>

<mosaic_0001>
#map = affine_map<(d0, d1) -> (0)>
#map1 = affine_map<(d0, d1) -> (0, 0)>
module attributes {stable_mosaic.version = 14 : i64} {
  func.func @_render(%arg0: i32, %arg1: i32, %arg2: memref<1048576xi32, #tpu.memory_space<hbm>>, %arg3: memref<1000008x8xf32, #tpu.memory_space<hbm>>, %arg4: memref<1048576x8xf32, #tpu.memory_space<hbm>>, %arg5: memref<8192xi32, #tpu.memory_space<vmem>>, %arg6: memref<8192xi32, #tpu.memory_space<vmem>>, %arg7: memref<8192x8xf32, #tpu.memory_space<vmem>>, %arg8: memref<!tpu.dma_semaphore, #tpu.memory_space<semaphore_mem>>) attributes {dimension_semantics = [#tpu.dimension_semantics<core_parallel>, #tpu.dimension_semantics<subcore_parallel>], iteration_bounds = array<i64: 2, 16>, scalar_prefetch = 0 : i64, scratch_operands = 4 : i64, tpu.core_type = #tpu.core_type<sc_vector_subcore>, window_params = [{transform_indices = #map}, {transform_indices = #map1}, {transform_indices = #map1}]} {
    %mul3A = arith.constant 2 : i32
    %mul3A_0 = arith.muli %arg1, %mul3A : i32
    %add3A = arith.addi %mul3A_0, %arg0 : i32
    %mul3A_1 = arith.constant 32768 : i32
    %mul3A_2 = arith.muli %add3A, %mul3A_1 : i32
    %broadcast_in_dim3A = arith.constant 1000000 : i32
    %broadcast_in_dim3A_3 = vector.broadcast %broadcast_in_dim3A : i32 to vector<16xi32>
    %add3A_4 = arith.constant 0 : i32
    %add3A_5 = arith.addi %mul3A_2, %add3A_4 : i32
    "tpu.region"() ({
      %run_scoped3A = tpu.sem_alloc : memref<!tpu.dma_semaphore, #tpu.memory_space<semaphore_mem>>
      %dma_start3A_61 = tpu.memref_slice %arg2[%add3A_5] : memref<1048576xi32, #tpu.memory_space<hbm>> -> memref<8192xi32, #tpu.memory_space<hbm>>
      %dma_start3A_62 = tpu.memref_slice %arg2[%add3A_5] : memref<1048576xi32, #tpu.memory_space<hbm>> -> memref<8192xi32, #tpu.memory_space<hbm>>
      tpu.enqueue_dma source(%dma_start3A_62 : memref<8192xi32, #tpu.memory_space<hbm>>) target(%arg5 : memref<8192xi32, #tpu.memory_space<vmem>>) target_semaphore(%run_scoped3A : memref<!tpu.dma_semaphore, #tpu.memory_space<semaphore_mem>>)
      %dma_wait3A_63 = tpu.memref_slice %arg2[%add3A_5] : memref<1048576xi32, #tpu.memory_space<hbm>> -> memref<8192xi32, #tpu.memory_space<hbm>>
      %dma_wait3A_64 = tpu.memref_slice %arg2[%add3A_5] : memref<1048576xi32, #tpu.memory_space<hbm>> -> memref<8192xi32, #tpu.memory_space<hbm>>
      tpu.wait_dma2 semaphore(%run_scoped3A : memref<!tpu.dma_semaphore, #tpu.memory_space<semaphore_mem>>) src(%dma_wait3A_64 : memref<8192xi32, #tpu.memory_space<hbm>>) dst(%arg5 : memref<8192xi32, #tpu.memory_space<vmem>>)
      tpu.yield
    }) : () -> ()
    %scan3A = arith.constant 0 : i32
    %scan3A_6 = arith.constant 0 : i32
    %scan3A_7 = arith.constant 512 : i32
    %scan3A_8 = arith.addi %scan3A_6, %scan3A_7 : i32
    %scan3A_9 = arith.constant 1 : i32
    %scan3A_10 = scf.for %scan3A_61 = %scan3A_6 to %scan3A_8 step %scan3A_9 iter_args(%scan3A_62 = %scan3A) -> (i32)  : i32 {
      %mul3A_63 = arith.constant 16 : i32
      %mul3A_64 = arith.muli %scan3A_61, %mul3A_63 : i32
      %get3A = arith.index_cast %mul3A_64 : i32 to index
      %get3A_65 = tpu.vector_load %arg5[%get3A] {strides = array<i32>} : memref<8192xi32, #tpu.memory_space<vmem>>, vector<16xi32>,
      %get3A_66 = vector.shape_cast %get3A_65 : vector<16xi32> to vector<16xi32>
      %lt3A = arith.constant 0 : i32
      %lt3A_67 = vector.broadcast %lt3A : i32 to vector<16xi32>
      %lt3A_68 = arith.cmpi slt, %get3A_66, %lt3A_67 : vector<16xi32>
      %select_n3A = arith.select %lt3A_68, %broadcast_in_dim3A_3, %get3A_66 : vector<16xi1>, vector<16xi32>
      %mul3A_69 = arith.constant 16 : i32
      %mul3A_70 = arith.muli %scan3A_61, %mul3A_69 : i32
      %swap3A = arith.index_cast %mul3A_70 : i32 to index
      %swap3A_71 = tpu.vector_load %arg6[%swap3A] {strides = array<i32>} : memref<8192xi32, #tpu.memory_space<vmem>>, vector<16xi32>,
      %swap3A_72 = vector.shape_cast %swap3A_71 : vector<16xi32> to vector<16xi32>
      %swap3A_73 = vector.shape_cast %select_n3A : vector<16xi32> to vector<16xi32>
      tpu.vector_store %arg6[%swap3A], %swap3A_73 {strides = array<i32>} : memref<8192xi32, #tpu.memory_space<vmem>>, vector<16xi32>,
      %scan3A_74 = arith.constant 0 : i32
      scf.yield %scan3A_74 : i32
    }
    %scan3A_11 = arith.constant 512 : i32
    %dma_start3A = arith.constant 0 : i32
    %dma_start3A_12 = arith.constant 0 : i32
    %dma_start3A_13 = tpu.memref_slice %arg3[%dma_start3A, %dma_start3A_12] : memref<1000008x8xf32, #tpu.memory_space<hbm>> -> memref<1000008x8xf32, #tpu.memory_space<hbm>>
    tpu.enqueue_indirect_dma source(%dma_start3A_13 : memref<1000008x8xf32, #tpu.memory_space<hbm>>) target(%arg7 : memref<8192x8xf32, #tpu.memory_space<vmem>>) offsets(%arg6 : memref<8192xi32, #tpu.memory_space<vmem>>) semaphore(%arg8 : memref<!tpu.dma_semaphore, #tpu.memory_space<semaphore_mem>>)
    %dma_wait3A = arith.constant 0 : i32
    %dma_wait3A_14 = arith.constant 0 : i32
    %dma_wait3A_15 = tpu.memref_slice %arg3[%dma_wait3A, %dma_wait3A_14] : memref<1000008x8xf32, #tpu.memory_space<hbm>> -> memref<1000008x8xf32, #tpu.memory_space<hbm>>
    tpu.wait_indirect_dma semaphore(%arg8 : memref<!tpu.dma_semaphore, #tpu.memory_space<semaphore_mem>>) src(%dma_wait3A_15 : memref<1000008x8xf32, #tpu.memory_space<hbm>>) dst(%arg7 : memref<8192x8xf32, #tpu.memory_space<vmem>>)
    "tpu.region"() ({
      %run_scoped3A = tpu.sem_alloc : memref<!tpu.dma_semaphore, #tpu.memory_space<semaphore_mem>>
      %dma_start3A_61 = arith.constant 0 : i32
      %dma_start3A_62 = tpu.memref_slice %arg4[%add3A_5, %dma_start3A_61] : memref<1048576x8xf32, #tpu.memory_space<hbm>> -> memref<8192x8xf32, #tpu.memory_space<hbm>>
      %dma_start3A_63 = arith.constant 0 : i32
      %dma_start3A_64 = tpu.memref_slice %arg4[%add3A_5, %dma_start3A_63] : memref<1048576x8xf32, #tpu.memory_space<hbm>> -> memref<8192x8xf32, #tpu.memory_space<hbm>>
      tpu.enqueue_dma source(%arg7 : memref<8192x8xf32, #tpu.memory_space<vmem>>) target(%dma_start3A_64 : memref<8192x8xf32, #tpu.memory_space<hbm>>) target_semaphore(%run_scoped3A : memref<!tpu.dma_semaphore, #tpu.memory_space<semaphore_mem>>)
      %dma_wait3A_65 = arith.constant 0 : i32
      %dma_wait3A_66 = tpu.memref_slice %arg4[%add3A_5, %dma_wait3A_65] : memref<1048576x8xf32, #tpu.memory_space<hbm>> -> memref<8192x8xf32, #tpu.memory_space<hbm>>
      %dma_wait3A_67 = arith.constant 0 : i32
      %dma_wait3A_68 = tpu.memref_slice %arg4[%add3A_5, %dma_wait3A_67] : memref<1048576x8xf32, #tpu.memory_space<hbm>> -> memref<8192x8xf32, #tpu.memory_space<hbm>>
      tpu.wait_dma2 semaphore(%run_scoped3A : memref<!tpu.dma_semaphore, #tpu.memory_space<semaphore_mem>>) src(%arg7 : memref<8192x8xf32, #tpu.memory_space<vmem>>) dst(%dma_wait3A_68 : memref<8192x8xf32, #tpu.memory_space<hbm>>)
      tpu.yield
    }) : () -> ()
    %add3A_16 = arith.constant 8192 : i32
    %add3A_17 = arith.addi %mul3A_2, %add3A_16 : i32
    "tpu.region"() ({
      %run_scoped3A = tpu.sem_alloc : memref<!tpu.dma_semaphore, #tpu.memory_space<semaphore_mem>>
      %dma_start3A_61 = tpu.memref_slice %arg2[%add3A_17] : memref<1048576xi32, #tpu.memory_space<hbm>> -> memref<8192xi32, #tpu.memory_space<hbm>>
      %dma_start3A_62 = tpu.memref_slice %arg2[%add3A_17] : memref<1048576xi32, #tpu.memory_space<hbm>> -> memref<8192xi32, #tpu.memory_space<hbm>>
      tpu.enqueue_dma source(%dma_start3A_62 : memref<8192xi32, #tpu.memory_space<hbm>>) target(%arg5 : memref<8192xi32, #tpu.memory_space<vmem>>) target_semaphore(%run_scoped3A : memref<!tpu.dma_semaphore, #tpu.memory_space<semaphore_mem>>)
      %dma_wait3A_63 = tpu.memref_slice %arg2[%add3A_17] : memref<1048576xi32, #tpu.memory_space<hbm>> -> memref<8192xi32, #tpu.memory_space<hbm>>
      %dma_wait3A_64 = tpu.memref_slice %arg2[%add3A_17] : memref<1048576xi32, #tpu.memory_space<hbm>> -> memref<8192xi32, #tpu.memory_space<hbm>>
      tpu.wait_dma2 semaphore(%run_scoped3A : memref<!tpu.dma_semaphore, #tpu.memory_space<semaphore_mem>>) src(%dma_wait3A_64 : memref<8192xi32, #tpu.memory_space<hbm>>) dst(%arg5 : memref<8192xi32, #tpu.memory_space<vmem>>)
      tpu.yield
    }) : () -> ()
    %scan3A_18 = arith.constant 0 : i32
    %scan3A_19 = arith.constant 0 : i32
    %scan3A_20 = arith.constant 512 : i32
    %scan3A_21 = arith.addi %scan3A_19, %scan3A_20 : i32
    %scan3A_22 = arith.constant 1 : i32
    %scan3A_23 = scf.for %scan3A_61 = %scan3A_19 to %scan3A_21 step %scan3A_22 iter_args(%scan3A_62 = %scan3A_18) -> (i32)  : i32 {
      %mul3A_63 = arith.constant 16 : i32
      %mul3A_64 = arith.muli %scan3A_61, %mul3A_63 : i32
      %get3A = arith.index_cast %mul3A_64 : i32 to index
      %get3A_65 = tpu.vector_load %arg5[%get3A] {strides = array<i32>} : memref<8192xi32, #tpu.memory_space<vmem>>, vector<16xi32>,
      %get3A_66 = vector.shape_cast %get3A_65 : vector<16xi32> to vector<16xi32>
      %lt3A = arith.constant 0 : i32
      %lt3A_67 = vector.broadcast %lt3A : i32 to vector<16xi32>
      %lt3A_68 = arith.cmpi slt, %get3A_66, %lt3A_67 : vector<16xi32>
      %select_n3A = arith.select %lt3A_68, %broadcast_in_dim3A_3, %get3A_66 : vector<16xi1>, vector<16xi32>
      %mul3A_69 = arith.constant 16 : i32
      %mul3A_70 = arith.muli %scan3A_61, %mul3A_69 : i32
      %swap3A = arith.index_cast %mul3A_70 : i32 to index
      %swap3A_71 = tpu.vector_load %arg6[%swap3A] {strides = array<i32>} : memref<8192xi32, #tpu.memory_space<vmem>>, vector<16xi32>,
      %swap3A_72 = vector.shape_cast %swap3A_71 : vector<16xi32> to vector<16xi32>
      %swap3A_73 = vector.shape_cast %select_n3A : vector<16xi32> to vector<16xi32>
      tpu.vector_store %arg6[%swap3A], %swap3A_73 {strides = array<i32>} : memref<8192xi32, #tpu.memory_space<vmem>>, vector<16xi32>,
      %scan3A_74 = arith.constant 0 : i32
      scf.yield %scan3A_74 : i32
    }
    %scan3A_24 = arith.constant 512 : i32
    %dma_start3A_25 = arith.constant 0 : i32
    %dma_start3A_26 = arith.constant 0 : i32
    %dma_start3A_27 = tpu.memref_slice %arg3[%dma_start3A_25, %dma_start3A_26] : memref<1000008x8xf32, #tpu.memory_space<hbm>> -> memref<1000008x8xf32, #tpu.memory_space<hbm>>
    tpu.enqueue_indirect_dma source(%dma_start3A_27 : memref<1000008x8xf32, #tpu.memory_space<hbm>>) target(%arg7 : memref<8192x8xf32, #tpu.memory_space<vmem>>) offsets(%arg6 : memref<8192xi32, #tpu.memory_space<vmem>>) semaphore(%arg8 : memref<!tpu.dma_semaphore, #tpu.memory_space<semaphore_mem>>)
    %dma_wait3A_28 = arith.constant 0 : i32
    %dma_wait3A_29 = arith.constant 0 : i32
    %dma_wait3A_30 = tpu.memref_slice %arg3[%dma_wait3A_28, %dma_wait3A_29] : memref<1000008x8xf32, #tpu.memory_space<hbm>> -> memref<1000008x8xf32, #tpu.memory_space<hbm>>
    tpu.wait_indirect_dma semaphore(%arg8 : memref<!tpu.dma_semaphore, #tpu.memory_space<semaphore_mem>>) src(%dma_wait3A_30 : memref<1000008x8xf32, #tpu.memory_space<hbm>>) dst(%arg7 : memref<8192x8xf32, #tpu.memory_space<vmem>>)
    "tpu.region"() ({
      %run_scoped3A = tpu.sem_alloc : memref<!tpu.dma_semaphore, #tpu.memory_space<semaphore_mem>>
      %dma_start3A_61 = arith.constant 0 : i32
      %dma_start3A_62 = tpu.memref_slice %arg4[%add3A_17, %dma_start3A_61] : memref<1048576x8xf32, #tpu.memory_space<hbm>> -> memref<8192x8xf32, #tpu.memory_space<hbm>>
      %dma_start3A_63 = arith.constant 0 : i32
      %dma_start3A_64 = tpu.memref_slice %arg4[%add3A_17, %dma_start3A_63] : memref<1048576x8xf32, #tpu.memory_space<hbm>> -> memref<8192x8xf32, #tpu.memory_space<hbm>>
      tpu.enqueue_dma source(%arg7 : memref<8192x8xf32, #tpu.memory_space<vmem>>) target(%dma_start3A_64 : memref<8192x8xf32, #tpu.memory_space<hbm>>) target_semaphore(%run_scoped3A : memref<!tpu.dma_semaphore, #tpu.memory_space<semaphore_mem>>)
      %dma_wait3A_65 = arith.constant 0 : i32
      %dma_wait3A_66 = tpu.memref_slice %arg4[%add3A_17, %dma_wait3A_65] : memref<1048576x8xf32, #tpu.memory_space<hbm>> -> memref<8192x8xf32, #tpu.memory_space<hbm>>
      %dma_wait3A_67 = arith.constant 0 : i32
      %dma_wait3A_68 = tpu.memref_slice %arg4[%add3A_17, %dma_wait3A_67] : memref<1048576x8xf32, #tpu.memory_space<hbm>> -> memref<8192x8xf32, #tpu.memory_space<hbm>>
      tpu.wait_dma2 semaphore(%run_scoped3A : memref<!tpu.dma_semaphore, #tpu.memory_space<semaphore_mem>>) src(%arg7 : memref<8192x8xf32, #tpu.memory_space<vmem>>) dst(%dma_wait3A_68 : memref<8192x8xf32, #tpu.memory_space<hbm>>)
      tpu.yield
    }) : () -> ()
    %add3A_31 = arith.constant 16384 : i32
    %add3A_32 = arith.addi %mul3A_2, %add3A_31 : i32
    "tpu.region"() ({
      %run_scoped3A = tpu.sem_alloc : memref<!tpu.dma_semaphore, #tpu.memory_space<semaphore_mem>>
      %dma_start3A_61 = tpu.memref_slice %arg2[%add3A_32] : memref<1048576xi32, #tpu.memory_space<hbm>> -> memref<8192xi32, #tpu.memory_space<hbm>>
      %dma_start3A_62 = tpu.memref_slice %arg2[%add3A_32] : memref<1048576xi32, #tpu.memory_space<hbm>> -> memref<8192xi32, #tpu.memory_space<hbm>>
      tpu.enqueue_dma source(%dma_start3A_62 : memref<8192xi32, #tpu.memory_space<hbm>>) target(%arg5 : memref<8192xi32, #tpu.memory_space<vmem>>) target_semaphore(%run_scoped3A : memref<!tpu.dma_semaphore, #tpu.memory_space<semaphore_mem>>)
      %dma_wait3A_63 = tpu.memref_slice %arg2[%add3A_32] : memref<1048576xi32, #tpu.memory_space<hbm>> -> memref<8192xi32, #tpu.memory_space<hbm>>
      %dma_wait3A_64 = tpu.memref_slice %arg2[%add3A_32] : memref<1048576xi32, #tpu.memory_space<hbm>> -> memref<8192xi32, #tpu.memory_space<hbm>>
      tpu.wait_dma2 semaphore(%run_scoped3A : memref<!tpu.dma_semaphore, #tpu.memory_space<semaphore_mem>>) src(%dma_wait3A_64 : memref<8192xi32, #tpu.memory_space<hbm>>) dst(%arg5 : memref<8192xi32, #tpu.memory_space<vmem>>)
      tpu.yield
    }) : () -> ()
    %scan3A_33 = arith.constant 0 : i32
    %scan3A_34 = arith.constant 0 : i32
    %scan3A_35 = arith.constant 512 : i32
    %scan3A_36 = arith.addi %scan3A_34, %scan3A_35 : i32
    %scan3A_37 = arith.constant 1 : i32
    %scan3A_38 = scf.for %scan3A_61 = %scan3A_34 to %scan3A_36 step %scan3A_37 iter_args(%scan3A_62 = %scan3A_33) -> (i32)  : i32 {
      %mul3A_63 = arith.constant 16 : i32
      %mul3A_64 = arith.muli %scan3A_61, %mul3A_63 : i32
      %get3A = arith.index_cast %mul3A_64 : i32 to index
      %get3A_65 = tpu.vector_load %arg5[%get3A] {strides = array<i32>} : memref<8192xi32, #tpu.memory_space<vmem>>, vector<16xi32>,
      %get3A_66 = vector.shape_cast %get3A_65 : vector<16xi32> to vector<16xi32>
      %lt3A = arith.constant 0 : i32
      %lt3A_67 = vector.broadcast %lt3A : i32 to vector<16xi32>
      %lt3A_68 = arith.cmpi slt, %get3A_66, %lt3A_67 : vector<16xi32>
      %select_n3A = arith.select %lt3A_68, %broadcast_in_dim3A_3, %get3A_66 : vector<16xi1>, vector<16xi32>
      %mul3A_69 = arith.constant 16 : i32
      %mul3A_70 = arith.muli %scan3A_61, %mul3A_69 : i32
      %swap3A = arith.index_cast %mul3A_70 : i32 to index
      %swap3A_71 = tpu.vector_load %arg6[%swap3A] {strides = array<i32>} : memref<8192xi32, #tpu.memory_space<vmem>>, vector<16xi32>,
      %swap3A_72 = vector.shape_cast %swap3A_71 : vector<16xi32> to vector<16xi32>
      %swap3A_73 = vector.shape_cast %select_n3A : vector<16xi32> to vector<16xi32>
      tpu.vector_store %arg6[%swap3A], %swap3A_73 {strides = array<i32>} : memref<8192xi32, #tpu.memory_space<vmem>>, vector<16xi32>,
      %scan3A_74 = arith.constant 0 : i32
      scf.yield %scan3A_74 : i32
    }
    %scan3A_39 = arith.constant 512 : i32
    %dma_start3A_40 = arith.constant 0 : i32
    %dma_start3A_41 = arith.constant 0 : i32
    %dma_start3A_42 = tpu.memref_slice %arg3[%dma_start3A_40, %dma_start3A_41] : memref<1000008x8xf32, #tpu.memory_space<hbm>> -> memref<1000008x8xf32, #tpu.memory_space<hbm>>
    tpu.enqueue_indirect_dma source(%dma_start3A_42 : memref<1000008x8xf32, #tpu.memory_space<hbm>>) target(%arg7 : memref<8192x8xf32, #tpu.memory_space<vmem>>) offsets(%arg6 : memref<8192xi32, #tpu.memory_space<vmem>>) semaphore(%arg8 : memref<!tpu.dma_semaphore, #tpu.memory_space<semaphore_mem>>)
    %dma_wait3A_43 = arith.constant 0 : i32
    %dma_wait3A_44 = arith.constant 0 : i32
    %dma_wait3A_45 = tpu.memref_slice %arg3[%dma_wait3A_43, %dma_wait3A_44] : memref<1000008x8xf32, #tpu.memory_space<hbm>> -> memref<1000008x8xf32, #tpu.memory_space<hbm>>
    tpu.wait_indirect_dma semaphore(%arg8 : memref<!tpu.dma_semaphore, #tpu.memory_space<semaphore_mem>>) src(%dma_wait3A_45 : memref<1000008x8xf32, #tpu.memory_space<hbm>>) dst(%arg7 : memref<8192x8xf32, #tpu.memory_space<vmem>>)
    "tpu.region"() ({
      %run_scoped3A = tpu.sem_alloc : memref<!tpu.dma_semaphore, #tpu.memory_space<semaphore_mem>>
      %dma_start3A_61 = arith.constant 0 : i32
      %dma_start3A_62 = tpu.memref_slice %arg4[%add3A_32, %dma_start3A_61] : memref<1048576x8xf32, #tpu.memory_space<hbm>> -> memref<8192x8xf32, #tpu.memory_space<hbm>>
      %dma_start3A_63 = arith.constant 0 : i32
      %dma_start3A_64 = tpu.memref_slice %arg4[%add3A_32, %dma_start3A_63] : memref<1048576x8xf32, #tpu.memory_space<hbm>> -> memref<8192x8xf32, #tpu.memory_space<hbm>>
      tpu.enqueue_dma source(%arg7 : memref<8192x8xf32, #tpu.memory_space<vmem>>) target(%dma_start3A_64 : memref<8192x8xf32, #tpu.memory_space<hbm>>) target_semaphore(%run_scoped3A : memref<!tpu.dma_semaphore, #tpu.memory_space<semaphore_mem>>)
      %dma_wait3A_65 = arith.constant 0 : i32
      %dma_wait3A_66 = tpu.memref_slice %arg4[%add3A_32, %dma_wait3A_65] : memref<1048576x8xf32, #tpu.memory_space<hbm>> -> memref<8192x8xf32, #tpu.memory_space<hbm>>
      %dma_wait3A_67 = arith.constant 0 : i32
      %dma_wait3A_68 = tpu.memref_slice %arg4[%add3A_32, %dma_wait3A_67] : memref<1048576x8xf32, #tpu.memory_space<hbm>> -> memref<8192x8xf32, #tpu.memory_space<hbm>>
      tpu.wait_dma2 semaphore(%run_scoped3A : memref<!tpu.dma_semaphore, #tpu.memory_space<semaphore_mem>>) src(%arg7 : memref<8192x8xf32, #tpu.memory_space<vmem>>) dst(%dma_wait3A_68 : memref<8192x8xf32, #tpu.memory_space<hbm>>)
      tpu.yield
    }) : () -> ()
    %add3A_46 = arith.constant 24576 : i32
    %add3A_47 = arith.addi %mul3A_2, %add3A_46 : i32
    "tpu.region"() ({
      %run_scoped3A = tpu.sem_alloc : memref<!tpu.dma_semaphore, #tpu.memory_space<semaphore_mem>>
      %dma_start3A_61 = tpu.memref_slice %arg2[%add3A_47] : memref<1048576xi32, #tpu.memory_space<hbm>> -> memref<8192xi32, #tpu.memory_space<hbm>>
      %dma_start3A_62 = tpu.memref_slice %arg2[%add3A_47] : memref<1048576xi32, #tpu.memory_space<hbm>> -> memref<8192xi32, #tpu.memory_space<hbm>>
      tpu.enqueue_dma source(%dma_start3A_62 : memref<8192xi32, #tpu.memory_space<hbm>>) target(%arg5 : memref<8192xi32, #tpu.memory_space<vmem>>) target_semaphore(%run_scoped3A : memref<!tpu.dma_semaphore, #tpu.memory_space<semaphore_mem>>)
      %dma_wait3A_63 = tpu.memref_slice %arg2[%add3A_47] : memref<1048576xi32, #tpu.memory_space<hbm>> -> memref<8192xi32, #tpu.memory_space<hbm>>
      %dma_wait3A_64 = tpu.memref_slice %arg2[%add3A_47] : memref<1048576xi32, #tpu.memory_space<hbm>> -> memref<8192xi32, #tpu.memory_space<hbm>>
      tpu.wait_dma2 semaphore(%run_scoped3A : memref<!tpu.dma_semaphore, #tpu.memory_space<semaphore_mem>>) src(%dma_wait3A_64 : memref<8192xi32, #tpu.memory_space<hbm>>) dst(%arg5 : memref<8192xi32, #tpu.memory_space<vmem>>)
      tpu.yield
    }) : () -> ()
    %scan3A_48 = arith.constant 0 : i32
    %scan3A_49 = arith.constant 0 : i32
    %scan3A_50 = arith.constant 512 : i32
    %scan3A_51 = arith.addi %scan3A_49, %scan3A_50 : i32
    %scan3A_52 = arith.constant 1 : i32
    %scan3A_53 = scf.for %scan3A_61 = %scan3A_49 to %scan3A_51 step %scan3A_52 iter_args(%scan3A_62 = %scan3A_48) -> (i32)  : i32 {
      %mul3A_63 = arith.constant 16 : i32
      %mul3A_64 = arith.muli %scan3A_61, %mul3A_63 : i32
      %get3A = arith.index_cast %mul3A_64 : i32 to index
      %get3A_65 = tpu.vector_load %arg5[%get3A] {strides = array<i32>} : memref<8192xi32, #tpu.memory_space<vmem>>, vector<16xi32>,
      %get3A_66 = vector.shape_cast %get3A_65 : vector<16xi32> to vector<16xi32>
      %lt3A = arith.constant 0 : i32
      %lt3A_67 = vector.broadcast %lt3A : i32 to vector<16xi32>
      %lt3A_68 = arith.cmpi slt, %get3A_66, %lt3A_67 : vector<16xi32>
      %select_n3A = arith.select %lt3A_68, %broadcast_in_dim3A_3, %get3A_66 : vector<16xi1>, vector<16xi32>
      %mul3A_69 = arith.constant 16 : i32
      %mul3A_70 = arith.muli %scan3A_61, %mul3A_69 : i32
      %swap3A = arith.index_cast %mul3A_70 : i32 to index
      %swap3A_71 = tpu.vector_load %arg6[%swap3A] {strides = array<i32>} : memref<8192xi32, #tpu.memory_space<vmem>>, vector<16xi32>,
      %swap3A_72 = vector.shape_cast %swap3A_71 : vector<16xi32> to vector<16xi32>
      %swap3A_73 = vector.shape_cast %select_n3A : vector<16xi32> to vector<16xi32>
      tpu.vector_store %arg6[%swap3A], %swap3A_73 {strides = array<i32>} : memref<8192xi32, #tpu.memory_space<vmem>>, vector<16xi32>,
      %scan3A_74 = arith.constant 0 : i32
      scf.yield %scan3A_74 : i32
    }
    %scan3A_54 = arith.constant 512 : i32
    %dma_start3A_55 = arith.constant 0 : i32
    %dma_start3A_56 = arith.constant 0 : i32
    %dma_start3A_57 = tpu.memref_slice %arg3[%dma_start3A_55, %dma_start3A_56] : memref<1000008x8xf32, #tpu.memory_space<hbm>> -> memref<1000008x8xf32, #tpu.memory_space<hbm>>
    tpu.enqueue_indirect_dma source(%dma_start3A_57 : memref<1000008x8xf32, #tpu.memory_space<hbm>>) target(%arg7 : memref<8192x8xf32, #tpu.memory_space<vmem>>) offsets(%arg6 : memref<8192xi32, #tpu.memory_space<vmem>>) semaphore(%arg8 : memref<!tpu.dma_semaphore, #tpu.memory_space<semaphore_mem>>)
    %dma_wait3A_58 = arith.constant 0 : i32
    %dma_wait3A_59 = arith.constant 0 : i32
    %dma_wait3A_60 = tpu.memref_slice %arg3[%dma_wait3A_58, %dma_wait3A_59] : memref<1000008x8xf32, #tpu.memory_space<hbm>> -> memref<1000008x8xf32, #tpu.memory_space<hbm>>
    tpu.wait_indirect_dma semaphore(%arg8 : memref<!tpu.dma_semaphore, #tpu.memory_space<semaphore_mem>>) src(%dma_wait3A_60 : memref<1000008x8xf32, #tpu.memory_space<hbm>>) dst(%arg7 : memref<8192x8xf32, #tpu.memory_space<vmem>>)
    "tpu.region"() ({
      %run_scoped3A = tpu.sem_alloc : memref<!tpu.dma_semaphore, #tpu.memory_space<semaphore_mem>>
      %dma_start3A_61 = arith.constant 0 : i32
      %dma_start3A_62 = tpu.memref_slice %arg4[%add3A_47, %dma_start3A_61] : memref<1048576x8xf32, #tpu.memory_space<hbm>> -> memref<8192x8xf32, #tpu.memory_space<hbm>>
      %dma_start3A_63 = arith.constant 0 : i32
      %dma_start3A_64 = tpu.memref_slice %arg4[%add3A_47, %dma_start3A_63] : memref<1048576x8xf32, #tpu.memory_space<hbm>> -> memref<8192x8xf32, #tpu.memory_space<hbm>>
      tpu.enqueue_dma source(%arg7 : memref<8192x8xf32, #tpu.memory_space<vmem>>) target(%dma_start3A_64 : memref<8192x8xf32, #tpu.memory_space<hbm>>) target_semaphore(%run_scoped3A : memref<!tpu.dma_semaphore, #tpu.memory_space<semaphore_mem>>)
      %dma_wait3A_65 = arith.constant 0 : i32
      %dma_wait3A_66 = tpu.memref_slice %arg4[%add3A_47, %dma_wait3A_65] : memref<1048576x8xf32, #tpu.memory_space<hbm>> -> memref<8192x8xf32, #tpu.memory_space<hbm>>
      %dma_wait3A_67 = arith.constant 0 : i32
      %dma_wait3A_68 = tpu.memref_slice %arg4[%add3A_47, %dma_wait3A_67] : memref<1048576x8xf32, #tpu.memory_space<hbm>> -> memref<8192x8xf32, #tpu.memory_space<hbm>>
      tpu.wait_dma2 semaphore(%run_scoped3A : memref<!tpu.dma_semaphore, #tpu.memory_space<semaphore_mem>>) src(%arg7 : memref<8192x8xf32, #tpu.memory_space<vmem>>) dst(%dma_wait3A_68 : memref<8192x8xf32, #tpu.memory_space<hbm>>)
      tpu.yield
    }) : () -> ()
    return
  }
}

</mosaic_0001>

<sc_bundles>
// kernel: kernel.3.cloned.1.call-start
scs
__scs_entry_jumppad:
0x0: {  	(pc) =	sbr.rel $0x88, $3  }
0x1: {  	(tag) =	ssettag $0x0;
	lr =	simm.s32 $0x1  }
0x2: {  	[smem:$0x3F9F] =	sst lr;
	_ =	strace $0xD0000000  }
0x3: {  	_ = 	snop  }
0x4: {  	_ = 	snop  }
0x5: {  	_ = 	snop  }
0x6: {  	_ = 	snop  }
0x7: {  	_ = 	snop  }
__scs_overlays_trampoline_lowered:
0x8: {  	[smem:$0x3FAE] =	sst s0  }
0x9: {  	[smem:$0x3FAF] =	sst s1  }
0xa: {  	[smem:$0x3FB0] =	sst s2  }
0xb: {  	[smem:$0x3FB1] =	sst s3  }
0xc: {  	[smem:$0x3FB2] =	sst s4  }
0xd: {  	[smem:$0x3FB3] =	sst s5  }
0xe: {  	[smem:$0x3FB4] =	sst s6  }
0xf: {  	[smem:$0x3FB5] =	sst s7  }
0x10: {  	[smem:$0x3FB6] =	sst s8  }
0x11: {  	[smem:$0x3FB7] =	sst s9;
	s0 =	simm.s32 @!p0 $0x0  }
0x12: {  	s1 =	sld [smem:$0x3F9D];
	s0 =	simm.s32 @p0 $0x1  }
0x13: {  	[smem:$0x3FB8] =	sst s0;
	s0 =	simm.s32 @!p1 $0x0  }
0x14: {  	s2 =	sld [smem:$0x3F9C];
	s0 =	simm.s32 @p1 $0x1  }
0x15: {  	[smem:$0x3FB9] =	sst s0;
	s0 =	simm.s32 @!p2 $0x0  }
0x16: {  	s3 =	sld [smem:$0x3FDB];
	s0 =	simm.s32 @p2 $0x1  }
0x17: {  	s4 =	simm.s32 $0x1BF5;
	[smem:$0x3FBB] =	sst s0  }
0x18: {  	s0 =	sld [smem:$0x3F9E];
	_ =	swait.ge [sflag:s4], $0x0  }
0x19: {  	s7 =	sld [smem:$0x3F9F]  }
0x1a: {  	s8 =	sadd.s32 $0xFFFFE003, lr  }
0x1b: {  	s9 =	sadd.s32 $0xFFFFFEF7, lr;
	s5 =	simm.s32 $0xFFFFFFFF;
	p2 =	slt.u32 s8, $0xFFFFF086  }
0x1c: {  	p1 =	slt.u32 s9, $0xF7A;
	s5 =	simm.s32 @!p2 $0x0  }
0x1d: {  	s5 =	simm.s32 @p1 $0x1;
	p0 =	seq.s32 s7, s2  }
0x1e: {  	s7 =	smul.u32 @!p0 $0xF7A, s2;
	p2 =	seq.s32 @!p0 s5, $0x0  }
0x1f: {  	s9 =	smul.u32 $0xF7A, s1;
	s8 =	simm.s32 @!p0 $0x1BF5;
	p2 =	por !p2, p0  }
0x20: {  	[sflag:s8] =	ssyncset.s32 @!p0 $0xFFFFF086;
	s6 =	sadd.s32 @!p0 s3, s7;
	s7 =	simm.s32 @!p0 $0x108  }
0x21: {  	s3 =	sadd.s32 s3, s9;
	s6 =	sadd.s32 @!p0 $0x88, s6;
	s7 =	simm.s32 @p2 $0x1082  }
0x22: {  	[simem:s7], [sflag:s8] =	dma.local @!p0 [hbm:s6], $0xF7A  }
0x23: {  	s9 =	sor.u32 $0xD0000000, s2;
	s6 =	simm.s32 $0x108;
	_ =	swait.ge @!p0 [sflag:s8], $0x0  }
0x24: {  	s3 =	sadd.s32 $0x88, s3;
	s6 =	simm.s32 @!p1 $0x1082;
	[sflag:s4] =	ssyncset.s32 $0xFFFFF086  }
0x25: {  	[simem:s6], [sflag:s4] =	dma.local [hbm:s3], $0xF7A  }
0x26: {  	[smem:$0x3F9F] =	sst s1;
	(tag) =	ssettag s2;
	_ =	strace s9  }
0x27: {  	s1 =	sld [smem:$0x3FAF]  }
0x28: {  	s2 =	sld [smem:$0x3FB0]  }
0x29: {  	s4 =	sld [smem:$0x3FB2]  }
0x2a: {  	p0 =	seq.s32 s5, $0x0;
	s5 =	sld [smem:$0x3FB3]  }
0x2b: {  	s6 =	sld [smem:$0x3FB4]  }
0x2c: {  	s7 =	sld [smem:$0x3FB5]  }
0x2d: {  	s3 =	simm.s32 $0x108;
	s8 =	sld [smem:$0x3FB6]  }
0x2e: {  	s3 =	simm.s32 @!p0 $0x1082;
	s9 =	sld [smem:$0x3FB7]  }
0x2f: {  	lr =	sadd.s32 s0, s3;
	s0 =	sld [smem:$0x3FAE]  }
0x30: {  	s3 =	sld [smem:$0x3FB1]  }
0x31: {  	[smem:$0x3FBA] =	sst s10  }
0x32: {  	s10 =	sld [smem:$0x3FB8];
	_ =	sdelay $0x3  }
0x33: {  	p0 =	seq.s32 s10, $0x1;
	s10 =	sld [smem:$0x3FBA];
	_ =	sdelay $0x3  }
0x34: {  	[smem:$0x3FBA] =	sst s10  }
0x35: {  	s10 =	sld [smem:$0x3FB9];
	_ =	sdelay $0x3  }
0x36: {  	p1 =	seq.s32 s10, $0x1;
	s10 =	sld [smem:$0x3FBA];
	_ =	sdelay $0x3  }
0x37: {  	[smem:$0x3FBA] =	sst s10  }
0x38: {  	s10 =	sld [smem:$0x3FBB]  }
0x39: {  	_ = 	snop;
	(pc) =	sbr.ind lr, $3  }
0x3a: {  	_ = 	snop  }
0x3b: {  	_ = 	snop  }
0x3c: {  	p2 =	seq.s32 s10, $0x1;
	s10 =	sld [smem:$0x3FBA]  }
0x3d: {  	_ =	shalt  }
0x3e: {  	_ =	shalt  }
0x3f: {  	_ =	shalt  }
0x40: {  	_ =	shalt  }
0x41: {  	_ =	shalt  }
0x42: {  	_ =	shalt  }
0x43: {  	_ =	shalt  }
0x44: {  	_ =	shalt  }
0x45: {  	_ =	shalt  }
0x46: {  	_ =	shalt  }
0x47: {  	_ =	shalt  }
0x48: {  	_ =	shalt  }
0x49: {  	_ =	shalt  }
0x4a: {  	_ =	shalt  }
0x4b: {  	_ =	shalt  }
0x4c: {  	_ =	shalt  }
0x4d: {  	_ =	shalt  }
0x4e: {  	_ =	shalt  }
0x4f: {  	_ =	shalt  }
0x50: {  	_ =	shalt  }
0x51: {  	_ =	shalt  }
0x52: {  	_ =	shalt  }
0x53: {  	_ =	shalt  }
0x54: {  	_ =	shalt  }
0x55: {  	_ =	shalt  }
0x56: {  	_ =	shalt  }
0x57: {  	_ =	shalt  }
0x58: {  	_ =	shalt  }
0x59: {  	_ =	shalt  }
0x5a: {  	_ =	shalt  }
0x5b: {  	_ =	shalt  }
0x5c: {  	_ =	shalt  }
0x5d: {  	_ =	shalt  }
0x5e: {  	_ =	shalt  }
0x5f: {  	_ =	shalt  }
0x60: {  	_ =	shalt  }
0x61: {  	_ =	shalt  }
0x62: {  	_ =	shalt  }
0x63: {  	_ =	shalt  }
0x64: {  	_ =	shalt  }
0x65: {  	_ =	shalt  }
0x66: {  	_ =	shalt  }
0x67: {  	_ =	shalt  }
0x68: {  	_ =	shalt  }
0x69: {  	_ =	shalt  }
0x6a: {  	_ =	shalt  }
0x6b: {  	_ =	shalt  }
0x6c: {  	_ =	shalt  }
0x6d: {  	_ =	shalt  }
0x6e: {  	_ =	shalt  }
0x6f: {  	_ =	shalt  }
0x70: {  	_ =	shalt  }
0x71: {  	_ =	shalt  }
0x72: {  	_ =	shalt  }
0x73: {  	_ =	shalt  }
0x74: {  	_ =	shalt  }
0x75: {  	_ =	shalt  }
0x76: {  	_ =	shalt  }
0x77: {  	_ =	shalt  }
0x78: {  	_ =	shalt  }
0x79: {  	_ =	shalt  }
0x7a: {  	_ =	shalt  }
0x7b: {  	_ =	shalt  }
0x7c: {  	_ =	shalt  }
0x7d: {  	_ =	shalt  }
0x7e: {  	_ =	shalt  }
0x7f: {  	_ =	shalt  }
0x80: {  	_ =	shalt  }
0x81: {  	_ =	shalt  }
0x82: {  	_ =	shalt  }
0x83: {  	_ =	shalt  }
0x84: {  	_ =	shalt  }
0x85: {  	_ =	shalt  }
0x86: {  	_ =	shalt  }
0x87: {  	_ =	shalt  }
.Lfunc_end0:
.L_simem_size_0:
called_computation_lowered:
.L_overlay_start_0:
0x88: {  	s2 =	sld [smem:$0x3FD9]  }
0x89: {  	s3 =	sld [smem:$0x3FFE];
	_ =	sdelay $0x1  }
0x8a: {  	s1 =	srdreg.scid  }
0x8b: {  	s0 =	sand.u32 $0x1, s1  }
0x8c: {  	s17 =	sshll.u32 s0, $0xA;
	s2 =	sadd.s32 s3, s2  }
0x8d: {  	s2 =	sadd.s32 s2, s17  }
0x8e: {  	[smem:$0x3FC6] =	sst s2  }
0x8f: {  	_ = 	snop  }
0x90: {  	s2 =	sld [smem:$0x3FD0];
	(tm) =	ssettm $0x1  }
0x91: {  	s18 =	sld [smem:$0x3FFB];
	_ =	sdelay $0x3  }
0x92: {  	_ =	strace s18  }
0x93: {  	s3 =	sld [smem:$0x3FFC];
	_ =	sdelay $0x3  }
0x94: {  	_ =	strace s3  }
0x95: {  	s3 =	sld [smem:$0x3FFD];
	_ =	sdelay $0x3  }
0x96: {  	_ =	strace s3  }
0x97: {  	_ =	strace $0x8FFFFFFF  }
0x98: {  	s19 =	sld [smem:$0x3FDB];
	_ =	sdelay $0x1  }
0x99: {  	s4 =	simm.s32 $_scs_section_size  }
0x9a: {  	s5 =	simm.s32 $_size__tile_overlayer_lowered;
	s6 =	simm.s32 $_tile_overlayer_lowered  }
0x9b: {  	s22 =	simm.s32 $0x1BFF;
	s21 =	sshll.u32 s6, $0x1;
	s3 =	sadd.s32 s4, s19  }
0x9c: {  	s7 =	simm.s32 $0x0;
	s20 =	sshll.u32 s5, $0x1;
	s5 =	sadd.s32 s21, s3  }
0x9d: {  	[timem:s7], [sflag:s22] =	dma.local [hbm:s5], s20  }
0x9e: {  	_ =	swait.ge [sflag:s22], s20  }
0x9f: {  	s4 =	ssub.s32 $0x0, s20;
	[sflag:s22] =	ssyncset.done $0x0  }
0xa0: {  	[sflag:s22] =	ssyncadd.s32 s4;
	_ =	sdelay $0x1  }
0xa1: {  	s23 =	simm.s32 $0x1B8B  }
0xa2: {  	_ =	swait.ge [sflag:s23], $0x1  }
0xa3: {  	[sflag:s23] =	ssyncset.done $0x0  }
0xa4: {  	s25 =	simm.s32 $0x1B8E;
	s24 =	sld [smem:$0x3FFE];
	[sflag:s23] =	ssyncadd.s32 $0xFFFFFFFF  }
0xa5: {  	s26 =	simm.s32 $execute0_lowered;
	[smem:$0x3FD2] =	sst s25  }
0xa6: {  	s5 =	sshll.u32 s26, $0x1;
	_ =	strace $0x80000046;
	[dreg:$0x1] =	wrdreg $0xFFFFFFFF  }
0xa7: {  	s28 =	simm.s32 $_size_execute0_lowered;
	s3 =	sadd.s32 s3, s5;
	[dreg:$0x0] =	wrdreg $0x0  }
0xa8: {  	s5 =	sshll.u32 s28, $0x1;
	[dreg:$0x2] =	wrdreg s3  }
0xa9: {  	[dreg:$0x3] =	wrdreg s5  }
0xaa: {  	[dreg:$0x4] =	wrdreg $0xC0  }
0xab: {  	_ =	task [dreg:s7], $0x5FFFF  }
0xac: {  	[dreg:$0x1] =	wrdreg $0xFFFFFFFF  }
0xad: {  	[dreg:$0x0] =	wrdreg $0x60  }
0xae: {  	[dreg:$0x2] =	wrdreg s2  }
0xaf: {  	[dreg:$0x3] =	wrdreg s24  }
0xb0: {  	[dreg:$0x4] =	wrdreg $0x9  }
0xb1: {  	_ =	task.clear_ibuf [dreg:s7], $0x5FFFF;
	_ =	strace $0x90000046  }
0xb2: {  	s29 =	simm.s32 $0x9;
	_ =	strace $0x80000048  }
0xb3: {  	_ =	swait.ge [sflag:s29], $0x1  }
0xb4: {  	[sflag:s29] =	ssyncadd.s32 $0xFFFFFFFF  }
0xb5: {  	_ =	strace $0x90000048  }
0xb6: {  	_ =	sfence  }
0xb7: {  	s30 =	sld [smem:$0x0];
	_ =	sdelay $0x2  }
0xb8: {  	s31 =	sshll.u32 s1, $0xD;
	s1 =	sshrl.u32 s1, $0x2  }
0xb9: {  	s3 =	sand.u32 $0x4000, s31;
	s1 =	sadd.s32 s1, s30  }
0xba: {  	s0 =	sor.u32 s3, s0;
	s1 =	sshll.u32 s1, $0x11  }
0xbb: {  	s0 =	sor.u32 s1, s0  }
0xbc: {  	s0 =	sadd.s32 $0x8F2B, s0  }
0xbd: {  	[sflag:s0] =	ssyncadd.remote.s32 $0x1  }
0xbe: {  	_ =	sfence.sel $0xFFFF  }
0xbf: {  	[dreg:$0x0] =	wrdreg $0xFFFFFFFF;
	(pc) =	sbr.abs _section_cstart, $3  }
0xc0: {  	[dreg:$0x1] =	wrdreg $0xFFFFFFFF  }
0xc1: {  	_ =	task.clear_ibuf [dreg:s7], $0x2FFFF;
	_ =	strace $0x9FFFFFFF  }
0xc2: {  	(tm) =	ssettm $0x7FFFFFFF  }
0xc3: {  	_ =	shalt  }
tec
execute0_lowered:
.L_overlay_start_1:
0x0: {  	(tag) =	ssettag $0x1  }
0x1: {  	s10 =	rddreg [dreg:$0x0]  }
0x2: {  	s4 =	rddreg [dreg:$0x1]  }
0x3: {  	s0 =	rddreg [dreg:$0x2];
	s2 =	simm.s32 $0x0;
	s3 =	srdreg.scid  }
0x4: {  	s1 =	stileid.u32;
	s15 =	simm.s32 $0x4000;
	s16 =	simm.s32 $0x1  }
0x5: {  	s17 =	simm.s32 $0x0;
	[smem:$0x7FF] =	sst s2;
	s5 =	sand.u32 $0x1, s3  }
0x6: {  	s6 =	sshll.u32 s1, $0x10;
	s3 =	sadd.s32 $0x400, s4;
	s7 =	sshll.u32 s5, $0xF  }
0x7: {  	s11 =	sadd.s32 $0xF4800, s4;
	s5 =	ssub.s32 $0x2, s5;
	s7 =	sor.u32 s7, s6  }
0x8: {  	_ =	strace $0x80000047;
	s29 =	sshrl.u32 s5, $0x1;
	s6 =	sshrl.u32 s7, $0x3  }
0x9: {  	s12 =	ssub.s32 s5, s29;
	s8 =	sor.u32 $0x2000, s7;
	s5 =	sadd.s32 s11, s7  }
0xa: {  	s9 =	sor.u32 $0x4000, s7;
	s14 =	sor.u32 $0x6000, s7;
	s4 =	sadd.s32 s10, s6  }
0xb: {  	s30 =	sshrl.u32 s8, $0x3;
	s13 =	sshrl.u32 s9, $0x3;
	s7 =	sadd.s32 s11, s8  }
0xc: {  	s31 =	sshrl.u32 s14, $0x3;
	s9 =	sadd.s32 s11, s9;
	s11 =	sadd.s32 s11, s14  }
0xd: {  	s12 =	smax.u32 s12, $0x1;
	s14 =	simm.s32 $0x2000;
	s6 =	sadd.s32 s10, s30  }
0xe: {  	s8 =	sadd.s32 s10, s13;
	s10 =	sadd.s32 s10, s31;
	s13 =	simm.s32 $0x2  }
.LBB2_1:
0xf: {  	[tilespmem:s2], [sflag:$0x2] =	stream.linear.gather [hbm4b:s4+s2], $0x2000, $0x38;
	[tilespmem:$0x14000] =	vst v63  }
0x10: {  	_ =	swait.ge [sflag:s13], $0x2000  }
0x11: {  	[sflag:s13] =	ssyncset.done $0x0  }
0x12: {  	s18 =	simm.s32 $0x0;
	[sflag:s13] =	ssyncadd.s32 $0xFFFFE000  }
0x13: {  	v0 =	vld [tilespmem:s18+$0x0]  }
0x14: {  	s19 =	simm.s32 $0x40  }
.LBB2_2:
0x15: {  	p0 =	sne.s32 s19, $0x7FC0  }
.Ltmp0:
0x16: {  	_ = 	snop;
	(pc) =	sbr.rel @p0 .LBB2_2-.Ltmp0, $4  }
0x17: {  	_ = 	snop  }
0x18: {  	s20 =	sshra.s32 s19, $0x2;
	s19 =	sadd.s32 $0x40, s19;
	vm0 =	vlt.s32 v0, $0x0  }
0x19: {  	v1 =	vsel vm0, $0xF4240, v0;
	v0 =	vld [tilespmem:s20+$0x0]  }
0x1a: {  	[tilespmem:s18+$0x2000] =	vst v1;
	s18 =	smov.u32 s20  }
0x1b: {  	_ =	sdelay $0x2  }
0x1c: {  	vm0 =	vlt.s32 v0, $0x0  }
0x1d: {  	v0 =	vsel vm0, $0xF4240, v0  }
0x1e: {  	[tilespmem:s18+$0x2000] =	vst v0  }
0x1f: {  	[tilespmem:s15], [sflag:$0x1] =	stream.indirect.gather [hbm4b:s3+s14], $0x8, s14, s14, $0xb8;
	[tilespmem:$0x14000] =	vst v63  }
0x20: {  	_ =	swait.ge [sflag:s16], $0x10000  }
0x21: {  	[sflag:s16] =	ssyncset.done $0x0  }
0x22: {  	s31 =	simm.s32 $0x0;
	[sflag:s16] =	ssyncadd.s32 $0xFFFF0000  }
0x23: {  	[hbm4b:s5+s31] =	stream.linear.scatter [tilespmem:s15], [sflag:$0x2], $0x10000, $0x38;
	[tilespmem:$0x14000] =	vst v63  }
0x24: {  	_ =	swait.ge [sflag:s13], $0x10000  }
0x25: {  	[sflag:s13] =	ssyncset.done $0x0  }
0x26: {  	[sflag:s13] =	ssyncadd.s32 $0xFFFF0000  }
0x27: {  	[tilespmem:s31], [sflag:$0x2] =	stream.linear.gather [hbm4b:s6+s31], $0x2000, $0x38;
	[tilespmem:$0x14000] =	vst v63  }
0x28: {  	_ =	swait.ge [sflag:s13], $0x2000  }
0x29: {  	[sflag:s13] =	ssyncset.done $0x0  }
0x2a: {  	s18 =	simm.s32 $0x0;
	[sflag:s13] =	ssyncadd.s32 $0xFFFFE000  }
0x2b: {  	v0 =	vld [tilespmem:s18+$0x0]  }
0x2c: {  	s19 =	simm.s32 $0x40  }
.LBB2_4:
0x2d: {  	p0 =	sne.s32 s19, $0x7FC0  }
.Ltmp1:
0x2e: {  	_ = 	snop;
	(pc) =	sbr.rel @p0 .LBB2_4-.Ltmp1, $4  }
0x2f: {  	_ = 	snop  }
0x30: {  	s20 =	sshra.s32 s19, $0x2;
	s19 =	sadd.s32 $0x40, s19;
	vm0 =	vlt.s32 v0, $0x0  }
0x31: {  	v1 =	vsel vm0, $0xF4240, v0;
	v0 =	vld [tilespmem:s20+$0x0]  }
0x32: {  	[tilespmem:s18+$0x2000] =	vst v1;
	s18 =	smov.u32 s20  }
0x33: {  	_ =	sdelay $0x2  }
0x34: {  	vm0 =	vlt.s32 v0, $0x0  }
0x35: {  	v0 =	vsel vm0, $0xF4240, v0  }
0x36: {  	[tilespmem:s18+$0x2000] =	vst v0  }
0x37: {  	[tilespmem:s15], [sflag:$0x1] =	stream.indirect.gather [hbm4b:s3+s14], $0x8, s14, s14, $0xb8;
	[tilespmem:$0x14000] =	vst v63  }
0x38: {  	_ =	swait.ge [sflag:s16], $0x10000  }
0x39: {  	[sflag:s16] =	ssyncset.done $0x0  }
0x3a: {  	s31 =	simm.s32 $0x0;
	[sflag:s16] =	ssyncadd.s32 $0xFFFF0000  }
0x3b: {  	[hbm4b:s7+s31] =	stream.linear.scatter [tilespmem:s15], [sflag:$0x2], $0x10000, $0x38;
	[tilespmem:$0x14000] =	vst v63  }
0x3c: {  	_ =	swait.ge [sflag:s13], $0x10000  }
0x3d: {  	[sflag:s13] =	ssyncset.done $0x0  }
0x3e: {  	[sflag:s13] =	ssyncadd.s32 $0xFFFF0000  }
0x3f: {  	[tilespmem:s31], [sflag:$0x2] =	stream.linear.gather [hbm4b:s8+s31], $0x2000, $0x38;
	[tilespmem:$0x14000] =	vst v63  }
0x40: {  	_ =	swait.ge [sflag:s13], $0x2000  }
0x41: {  	[sflag:s13] =	ssyncset.done $0x0  }
0x42: {  	s18 =	simm.s32 $0x0;
	[sflag:s13] =	ssyncadd.s32 $0xFFFFE000  }
0x43: {  	v0 =	vld [tilespmem:s18+$0x0]  }
0x44: {  	s19 =	simm.s32 $0x40  }
.LBB2_6:
0x45: {  	p0 =	sne.s32 s19, $0x7FC0  }
.Ltmp2:
0x46: {  	_ = 	snop;
	(pc) =	sbr.rel @p0 .LBB2_6-.Ltmp2, $4  }
0x47: {  	_ = 	snop  }
0x48: {  	s20 =	sshra.s32 s19, $0x2;
	s19 =	sadd.s32 $0x40, s19;
	vm0 =	vlt.s32 v0, $0x0  }
0x49: {  	v1 =	vsel vm0, $0xF4240, v0;
	v0 =	vld [tilespmem:s20+$0x0]  }
0x4a: {  	[tilespmem:s18+$0x2000] =	vst v1;
	s18 =	smov.u32 s20  }
0x4b: {  	_ =	sdelay $0x2  }
0x4c: {  	vm0 =	vlt.s32 v0, $0x0  }
0x4d: {  	v0 =	vsel vm0, $0xF4240, v0  }
0x4e: {  	[tilespmem:s18+$0x2000] =	vst v0  }
0x4f: {  	[tilespmem:s15], [sflag:$0x1] =	stream.indirect.gather [hbm4b:s3+s14], $0x8, s14, s14, $0xb8;
	[tilespmem:$0x14000] =	vst v63  }
0x50: {  	_ =	swait.ge [sflag:s16], $0x10000  }
0x51: {  	[sflag:s16] =	ssyncset.done $0x0  }
0x52: {  	s31 =	simm.s32 $0x0;
	[sflag:s16] =	ssyncadd.s32 $0xFFFF0000  }
0x53: {  	[hbm4b:s9+s31] =	stream.linear.scatter [tilespmem:s15], [sflag:$0x2], $0x10000, $0x38;
	[tilespmem:$0x14000] =	vst v63  }
0x54: {  	_ =	swait.ge [sflag:s13], $0x10000  }
0x55: {  	[sflag:s13] =	ssyncset.done $0x0  }
0x56: {  	[sflag:s13] =	ssyncadd.s32 $0xFFFF0000  }
0x57: {  	[tilespmem:s31], [sflag:$0x2] =	stream.linear.gather [hbm4b:s10+s31], $0x2000, $0x38;
	[tilespmem:$0x14000] =	vst v63  }
0x58: {  	_ =	swait.ge [sflag:s13], $0x2000  }
0x59: {  	[sflag:s13] =	ssyncset.done $0x0  }
0x5a: {  	s18 =	simm.s32 $0x0;
	[sflag:s13] =	ssyncadd.s32 $0xFFFFE000  }
0x5b: {  	v0 =	vld [tilespmem:s18+$0x0]  }
0x5c: {  	s19 =	simm.s32 $0x40  }
.LBB2_8:
0x5d: {  	p0 =	sne.s32 s19, $0x7FC0  }
.Ltmp3:
0x5e: {  	_ = 	snop;
	(pc) =	sbr.rel @p0 .LBB2_8-.Ltmp3, $4  }
0x5f: {  	_ = 	snop  }
0x60: {  	s20 =	sshra.s32 s19, $0x2;
	s19 =	sadd.s32 $0x40, s19;
	vm0 =	vlt.s32 v0, $0x0  }
0x61: {  	v1 =	vsel vm0, $0xF4240, v0;
	v0 =	vld [tilespmem:s20+$0x0]  }
0x62: {  	[tilespmem:s18+$0x2000] =	vst v1;
	s18 =	smov.u32 s20  }
0x63: {  	_ =	sdelay $0x2  }
0x64: {  	vm0 =	vlt.s32 v0, $0x0  }
0x65: {  	v0 =	vsel vm0, $0xF4240, v0  }
0x66: {  	[tilespmem:s18+$0x2000] =	vst v0  }
0x67: {  	[tilespmem:s15], [sflag:$0x1] =	stream.indirect.gather [hbm4b:s3+s14], $0x8, s14, s14, $0xb8;
	[tilespmem:$0x14000] =	vst v63  }
0x68: {  	s17 =	sadd.s32 $0x1, s17;
	_ =	swait.ge [sflag:s16], $0x10000  }
0x69: {  	p0 =	sne.s32 s17, s12;
	[sflag:s16] =	ssyncset.done $0x0  }
.Ltmp4:
0x6a: {  	[sflag:s16] =	ssyncadd.s32 $0xFFFF0000;
	(pc) =	sbr.rel @p0 .LBB2_1-.Ltmp4, $4  }
0x6b: {  	[hbm4b:s11+s2] =	stream.linear.scatter [tilespmem:s15], [sflag:$0x2], $0x10000, $0x38;
	[tilespmem:$0x14000] =	vst v63  }
0x6c: {  	_ =	swait.ge [sflag:s13], $0x10000  }
0x6d: {  	[sflag:s13] =	ssyncset.done $0x0  }
0x6e: {  	[sflag:s13] =	ssyncadd.s32 $0xFFFF0000  }
0x6f: {  	_ =	sfence.sel $0x180000  }
0x70: {  	[bflag:$0x0] =	sbarrier.arrive $0xFFFF  }
0x71: {  	p0 =	sne.s32 s1, $0x0;
	_ =	strace $0x90000047  }
0x72: {  	s0 =	sadd.s32 @!p0 $0x100000, s0;
	[bflag:$0x2] =	sbarrier.arrive $0xFFFF  }
0x73: {  	[sflag:s0] =	ssyncadd.tile.s32 @!p0 $0x1;
	_ =	shalt  }
.Lfunc_end2:
_tile_overlayer_lowered:
.L_overlay_start_2:
0x74: {  	(tag) =	ssettag $0x2  }
0x75: {  	s0 =	rddreg [dreg:$0x0];
	s2 =	stileid.u32  }
0x76: {  	s1 =	rddreg [dreg:$0x1];
	p0 =	sne.s32 s2, $0x0  }
0x77: {  	s3 =	rddreg [dreg:$0x2];
	[bflag:$0x3] =	sbarrier.arrive $0xFFFF;
	s2 =	simm.s32 @!p0 $0x1C02  }
0x78: {  	[timem:s3], [sflag:s2] =	dma.local @!p0 [hbm:s0], s1  }
0x79: {  	s0 =	simm.s32 @!p0 $0x2  }
0x7a: {  	_ =	swait.ge @!p0 [sflag:s0], s1  }
0x7b: {  	s1 =	ssub.s32 @!p0 $0x0, s1;
	[sflag:s0] =	ssyncset.done @!p0 $0x0  }
0x7c: {  	[sflag:s0] =	ssyncadd.s32 @!p0 s1  }
0x7d: {  	[bflag:$0x3] =	sbarrier.arrive $0xFFFF  }
0x7e: {  	_ =	shalt  }

</sc_bundles>
